<compile_context>
chip_gen: v7x
topology: tpu7x:2x2x1
jax: 0.10.2.dev20260603
libtpu: 0.0.44.dev20260713+nightly
codegen_flags: <defaults>
</compile_context>

<pallas_src>
import functools

import jax
import jax.numpy as jnp
from jax import lax
from jax.experimental import pallas as pl
from jax.experimental.pallas import tpu as pltpu
from jax.experimental.pallas import tpu_sc as plsc

_ROWS = 8192
_H = 1024

_TC_ROWS = 6144
_BLK = 2048
_NSTEPS = _TC_ROWS // _BLK
_NBUF = 3


def _tc_ring_body(x_hbm, o_hbm, vmem, in_sems, out_sems):
    def in_copy(step):
        b = step % _NBUF
        return pltpu.make_async_copy(
            x_hbm.at[pl.ds(step * _BLK, _BLK)], vmem.at[b], in_sems.at[b]
        )

    def out_copy(step):
        b = step % _NBUF
        return pltpu.make_async_copy(
            vmem.at[b], o_hbm.at[pl.ds(step * _BLK, _BLK)], out_sems.at[b]
        )

    for s in range(min(_NBUF, _NSTEPS)):
        in_copy(s).start()
    for s in range(_NSTEPS):
        in_copy(s).wait()
        out_copy(s).start()
        nxt = s + _NBUF
        if nxt < _NSTEPS:
            out_copy(s).wait()
            in_copy(nxt).start()
    for s in range(max(_NSTEPS - _NBUF, 0), _NSTEPS):
        out_copy(s).wait()


def _tc_copy(x):
    return pl.pallas_call(
        _tc_ring_body,
        in_specs=[pl.BlockSpec(memory_space=pl.ANY)],
        out_specs=pl.BlockSpec(memory_space=pl.ANY),
        out_shape=jax.ShapeDtypeStruct((_TC_ROWS, _H), jnp.float32),
        scratch_shapes=[
            pltpu.VMEM((_NBUF, _BLK, _H), jnp.float32),
            pltpu.SemaphoreType.DMA((_NBUF,)),
            pltpu.SemaphoreType.DMA((_NBUF,)),
        ],
    )(x)


_SC_ROWS = _ROWS - _TC_ROWS
_NC = 2
_NS = 16
_NW = _NC * _NS
_RPW = _SC_ROWS // _NW
_CHUNK = 32
_NCHUNK = _RPW // _CHUNK
_RING = 2

_mesh = plsc.VectorSubcoreMesh(core_axis_name="c", subcore_axis_name="s")


@functools.partial(
    pl.kernel,
    mesh=_mesh,
    out_type=jax.ShapeDtypeStruct((_SC_ROWS, _H), jnp.float32),
    scratch_types=[
        pltpu.VMEM((_RING, _CHUNK, _H), jnp.float32),
        pltpu.SemaphoreType.DMA((_RING,)),
        pltpu.SemaphoreType.DMA((_RING,)),
    ],
)
def _sc_copy(x_hbm, o_hbm, buf, isem, osem):
    wid = lax.axis_index("s") * _NC + lax.axis_index("c")
    src_base = _TC_ROWS + wid * _RPW
    dst_base = wid * _RPW

    def in_copy(s):
        b = s % _RING
        return pltpu.make_async_copy(
            x_hbm.at[pl.ds(src_base + s * _CHUNK, _CHUNK)], buf.at[b], isem.at[b]
        )

    def out_copy(s):
        b = s % _RING
        return pltpu.make_async_copy(
            buf.at[b], o_hbm.at[pl.ds(dst_base + s * _CHUNK, _CHUNK)], osem.at[b]
        )

    for s in range(min(_RING, _NCHUNK)):
        in_copy(s).start()
    for s in range(_NCHUNK):
        in_copy(s).wait()
        out_copy(s).start()
        nxt = s + _RING
        if nxt < _NCHUNK:
            out_copy(s).wait()
            in_copy(nxt).start()
    for s in range(max(_NCHUNK - _RING, 0), _NCHUNK):
        out_copy(s).wait()


def kernel(hidden_states, layer_idx, W1, b1, W2, b2):
    B, S, H = hidden_states.shape
    x = hidden_states.reshape(_ROWS, _H)
    top = _tc_copy(x)
    bottom = _sc_copy(x)
    out = jnp.concatenate([top, bottom], axis=0)
    return out.reshape(B, S, H)

# --- scband reference (transcript-rebuilt; emitter-appended) ---
"""Pipeline reference for scband-cache-manager-37864431681771 (READ-ONLY COPY).

The authoritative reference and input builder live on the scoring server;
editing this copy changes nothing except your own understanding.
"""

import jax, jax.numpy as jnp
import numpy as np

HIDDEN_SIZE = 1024
NUM_LAYERS = 12
NUM_HEADS = 16
MAX_CACHE_SIZE = 2048
HEAD_DIM = HIDDEN_SIZE // NUM_HEADS


def setup_inputs(seed: int = 0) -> dict:
    key = jax.random.key(seed)
    k1, k2, k3 = jax.random.split(key, 3)
    hidden_states = jax.random.normal(k1, (2, 4096, HIDDEN_SIZE), dtype=jnp.float32)
    # importance_estimator params (present in the module, unused in forward path)
    W1 = jax.random.normal(k2, (HIDDEN_SIZE, HIDDEN_SIZE // 2), dtype=jnp.float32) * 0.02
    b1 = jnp.zeros((HIDDEN_SIZE // 2,), dtype=jnp.float32)
    W2 = jax.random.normal(k3, (HIDDEN_SIZE // 2, 1), dtype=jnp.float32) * 0.02
    b2 = jnp.zeros((1,), dtype=jnp.float32)
    return {"hidden_states": hidden_states, "layer_idx": 0, "W1": W1, "b1": b1, "W2": W2, "b2": b2}


def reference(hidden_states, layer_idx, W1, b1, W2, b2):
    # cache_enabled is True by default, so we follow the cached path.
    batch_size, seq_len, _ = hidden_states.shape
    # key_cache / value_cache are None at first call -> allocate zero caches
    key_cache = jnp.zeros((batch_size, NUM_LAYERS, MAX_CACHE_SIZE, NUM_HEADS, HEAD_DIM), dtype=hidden_states.dtype)
    value_cache = jnp.zeros((batch_size, NUM_LAYERS, MAX_CACHE_SIZE, NUM_HEADS, HEAD_DIM), dtype=hidden_states.dtype)
    cache_length = 0
    # if cache_length + seq_len > max_cache_size: _prune_cache(hidden_states)
    # _prune_cache returns immediately when cache_length == 0, so it is a no-op here.
    if cache_length + seq_len > MAX_CACHE_SIZE:
        if cache_length != 0:
            # (unreachable on first call, kept for faithfulness)
            importance = jax.random.uniform(jax.random.key(1), (cache_length,))
            keep_size = int(MAX_CACHE_SIZE * 0.8)
            _, keep_indices = jax.lax.top_k(importance, keep_size)
            key_cache = jnp.zeros_like(key_cache).at[:, :, jnp.arange(keep_size)].set(key_cache[:, :, keep_indices])
            value_cache = jnp.zeros_like(value_cache).at[:, :, jnp.arange(keep_size)].set(value_cache[:, :, keep_indices])
    # forward returns hidden_states unchanged
    return hidden_states

if __name__ == "__main__":
    import jax
    _d = setup_inputs()
    print(jax.jit(kernel)(*tuple(_d.values())))

</pallas_src>

<mosaic_0001>
#map = affine_map<(d0, d1) -> (0, 0)>
module attributes {stable_mosaic.version = 14 : i64} {
  func.func @_sc_copy(%arg0: i32, %arg1: i32, %arg2: memref<8192x1024xf32, #tpu.memory_space<hbm>>, %arg3: memref<2048x1024xf32, #tpu.memory_space<hbm>>, %arg4: memref<2x32x1024xf32, #tpu.memory_space<vmem>>, %arg5: memref<2x!tpu.dma_semaphore, #tpu.memory_space<semaphore_mem>>, %arg6: memref<2x!tpu.dma_semaphore, #tpu.memory_space<semaphore_mem>>) attributes {dimension_semantics = [#tpu.dimension_semantics<core_parallel>, #tpu.dimension_semantics<subcore_parallel>], iteration_bounds = array<i64: 2, 16>, scalar_prefetch = 0 : i64, scratch_operands = 3 : i64, tpu.core_type = #tpu.core_type<sc_vector_subcore>, window_params = [{transform_indices = #map}, {transform_indices = #map}]} {
    %mul3A = arith.constant 2 : i32
    %mul3A_0 = arith.muli %arg1, %mul3A : i32
    %add3A = arith.addi %mul3A_0, %arg0 : i32
    %mul3A_1 = arith.constant 64 : i32
    %mul3A_2 = arith.muli %add3A, %mul3A_1 : i32
    %add3A_3 = arith.constant 6144 : i32
    %add3A_4 = arith.addi %add3A_3, %mul3A_2 : i32
    %mul3A_5 = arith.constant 64 : i32
    %mul3A_6 = arith.muli %add3A, %mul3A_5 : i32
    %add3A_7 = arith.constant 0 : i32
    %add3A_8 = arith.addi %add3A_4, %add3A_7 : i32
    %dma_start3A = arith.constant 0 : i32
    %dma_start3A_9 = arith.constant 0 : i32
    %dma_start3A_10 = arith.constant 0 : i32
    %dma_start3A_11 = arith.constant 0 : i32
    %dma_start3A_12 = tpu.memref_slice %arg4[%dma_start3A, %dma_start3A_10, %dma_start3A_11] : memref<2x32x1024xf32, #tpu.memory_space<vmem>> -> memref<1x32x1024xf32, #tpu.memory_space<vmem>>
    %dma_start3A_13 = tpu.memref_squeeze %dma_start3A_12 : memref<1x32x1024xf32, #tpu.memory_space<vmem>> -> memref<32x1024xf32, #tpu.memory_space<vmem>>
    %dma_start3A_14 = arith.constant 0 : i32
    %dma_start3A_15 = tpu.memref_slice %arg2[%add3A_8, %dma_start3A_14] : memref<8192x1024xf32, #tpu.memory_space<hbm>> -> memref<32x1024xf32, #tpu.memory_space<hbm>>
    %dma_start3A_16 = tpu.memref_slice %arg5[%dma_start3A_9] : memref<2x!tpu.dma_semaphore, #tpu.memory_space<semaphore_mem>> -> memref<1x!tpu.dma_semaphore, #tpu.memory_space<semaphore_mem>>
    %dma_start3A_17 = tpu.memref_squeeze %dma_start3A_16 : memref<1x!tpu.dma_semaphore, #tpu.memory_space<semaphore_mem>> -> memref<!tpu.dma_semaphore, #tpu.memory_space<semaphore_mem>>
    %dma_start3A_18 = arith.constant 0 : i32
    %dma_start3A_19 = arith.constant 0 : i32
    %dma_start3A_20 = tpu.memref_slice %arg4[%dma_start3A, %dma_start3A_18, %dma_start3A_19] : memref<2x32x1024xf32, #tpu.memory_space<vmem>> -> memref<1x32x1024xf32, #tpu.memory_space<vmem>>
    %dma_start3A_21 = tpu.memref_squeeze %dma_start3A_20 : memref<1x32x1024xf32, #tpu.memory_space<vmem>> -> memref<32x1024xf32, #tpu.memory_space<vmem>>
    %dma_start3A_22 = arith.constant 0 : i32
    %dma_start3A_23 = tpu.memref_slice %arg2[%add3A_8, %dma_start3A_22] : memref<8192x1024xf32, #tpu.memory_space<hbm>> -> memref<32x1024xf32, #tpu.memory_space<hbm>>
    tpu.enqueue_dma source(%dma_start3A_23 : memref<32x1024xf32, #tpu.memory_space<hbm>>) target(%dma_start3A_21 : memref<32x1024xf32, #tpu.memory_space<vmem>>) target_semaphore(%dma_start3A_17 : memref<!tpu.dma_semaphore, #tpu.memory_space<semaphore_mem>>)
    %add3A_24 = arith.constant 32 : i32
    %add3A_25 = arith.addi %add3A_4, %add3A_24 : i32
    %dma_start3A_26 = arith.constant 1 : i32
    %dma_start3A_27 = arith.constant 1 : i32
    %dma_start3A_28 = arith.constant 0 : i32
    %dma_start3A_29 = arith.constant 0 : i32
    %dma_start3A_30 = tpu.memref_slice %arg4[%dma_start3A_26, %dma_start3A_28, %dma_start3A_29] : memref<2x32x1024xf32, #tpu.memory_space<vmem>> -> memref<1x32x1024xf32, #tpu.memory_space<vmem>>
    %dma_start3A_31 = tpu.memref_squeeze %dma_start3A_30 : memref<1x32x1024xf32, #tpu.memory_space<vmem>> -> memref<32x1024xf32, #tpu.memory_space<vmem>>
    %dma_start3A_32 = arith.constant 0 : i32
    %dma_start3A_33 = tpu.memref_slice %arg2[%add3A_25, %dma_start3A_32] : memref<8192x1024xf32, #tpu.memory_space<hbm>> -> memref<32x1024xf32, #tpu.memory_space<hbm>>
    %dma_start3A_34 = tpu.memref_slice %arg5[%dma_start3A_27] : memref<2x!tpu.dma_semaphore, #tpu.memory_space<semaphore_mem>> -> memref<1x!tpu.dma_semaphore, #tpu.memory_space<semaphore_mem>>
    %dma_start3A_35 = tpu.memref_squeeze %dma_start3A_34 : memref<1x!tpu.dma_semaphore, #tpu.memory_space<semaphore_mem>> -> memref<!tpu.dma_semaphore, #tpu.memory_space<semaphore_mem>>
    %dma_start3A_36 = arith.constant 0 : i32
    %dma_start3A_37 = arith.constant 0 : i32
    %dma_start3A_38 = tpu.memref_slice %arg4[%dma_start3A_26, %dma_start3A_36, %dma_start3A_37] : memref<2x32x1024xf32, #tpu.memory_space<vmem>> -> memref<1x32x1024xf32, #tpu.memory_space<vmem>>
    %dma_start3A_39 = tpu.memref_squeeze %dma_start3A_38 : memref<1x32x1024xf32, #tpu.memory_space<vmem>> -> memref<32x1024xf32, #tpu.memory_space<vmem>>
    %dma_start3A_40 = arith.constant 0 : i32
    %dma_start3A_41 = tpu.memref_slice %arg2[%add3A_25, %dma_start3A_40] : memref<8192x1024xf32, #tpu.memory_space<hbm>> -> memref<32x1024xf32, #tpu.memory_space<hbm>>
    tpu.enqueue_dma source(%dma_start3A_41 : memref<32x1024xf32, #tpu.memory_space<hbm>>) target(%dma_start3A_39 : memref<32x1024xf32, #tpu.memory_space<vmem>>) target_semaphore(%dma_start3A_35 : memref<!tpu.dma_semaphore, #tpu.memory_space<semaphore_mem>>)
    %add3A_42 = arith.constant 0 : i32
    %add3A_43 = arith.addi %add3A_4, %add3A_42 : i32
    %dma_wait3A = arith.constant 0 : i32
    %dma_wait3A_44 = arith.constant 0 : i32
    %dma_wait3A_45 = arith.constant 0 : i32
    %dma_wait3A_46 = arith.constant 0 : i32
    %dma_wait3A_47 = tpu.memref_slice %arg4[%dma_wait3A, %dma_wait3A_45, %dma_wait3A_46] : memref<2x32x1024xf32, #tpu.memory_space<vmem>> -> memref<1x32x1024xf32, #tpu.memory_space<vmem>>
    %dma_wait3A_48 = tpu.memref_squeeze %dma_wait3A_47 : memref<1x32x1024xf32, #tpu.memory_space<vmem>> -> memref<32x1024xf32, #tpu.memory_space<vmem>>
    %dma_wait3A_49 = arith.constant 0 : i32
    %dma_wait3A_50 = tpu.memref_slice %arg2[%add3A_43, %dma_wait3A_49] : memref<8192x1024xf32, #tpu.memory_space<hbm>> -> memref<32x1024xf32, #tpu.memory_space<hbm>>
    %dma_wait3A_51 = tpu.memref_slice %arg5[%dma_wait3A_44] : memref<2x!tpu.dma_semaphore, #tpu.memory_space<semaphore_mem>> -> memref<1x!tpu.dma_semaphore, #tpu.memory_space<semaphore_mem>>
    %dma_wait3A_52 = tpu.memref_squeeze %dma_wait3A_51 : memref<1x!tpu.dma_semaphore, #tpu.memory_space<semaphore_mem>> -> memref<!tpu.dma_semaphore, #tpu.memory_space<semaphore_mem>>
    %dma_wait3A_53 = arith.constant 0 : i32
    %dma_wait3A_54 = arith.constant 0 : i32
    %dma_wait3A_55 = tpu.memref_slice %arg4[%dma_wait3A, %dma_wait3A_53, %dma_wait3A_54] : memref<2x32x1024xf32, #tpu.memory_space<vmem>> -> memref<1x32x1024xf32, #tpu.memory_space<vmem>>
    %dma_wait3A_56 = tpu.memref_squeeze %dma_wait3A_55 : memref<1x32x1024xf32, #tpu.memory_space<vmem>> -> memref<32x1024xf32, #tpu.memory_space<vmem>>
    %dma_wait3A_57 = arith.constant 0 : i32
    %dma_wait3A_58 = tpu.memref_slice %arg2[%add3A_43, %dma_wait3A_57] : memref<8192x1024xf32, #tpu.memory_space<hbm>> -> memref<32x1024xf32, #tpu.memory_space<hbm>>
    tpu.wait_dma2 semaphore(%dma_wait3A_52 : memref<!tpu.dma_semaphore, #tpu.memory_space<semaphore_mem>>) src(%dma_wait3A_58 : memref<32x1024xf32, #tpu.memory_space<hbm>>) dst(%dma_wait3A_56 : memref<32x1024xf32, #tpu.memory_space<vmem>>)
    %add3A_59 = arith.constant 0 : i32
    %add3A_60 = arith.addi %mul3A_6, %add3A_59 : i32
    %dma_start3A_61 = arith.constant 0 : i32
    %dma_start3A_62 = arith.constant 0 : i32
    %dma_start3A_63 = arith.constant 0 : i32
    %dma_start3A_64 = arith.constant 0 : i32
    %dma_start3A_65 = tpu.memref_slice %arg4[%dma_start3A_61, %dma_start3A_63, %dma_start3A_64] : memref<2x32x1024xf32, #tpu.memory_space<vmem>> -> memref<1x32x1024xf32, #tpu.memory_space<vmem>>
    %dma_start3A_66 = tpu.memref_squeeze %dma_start3A_65 : memref<1x32x1024xf32, #tpu.memory_space<vmem>> -> memref<32x1024xf32, #tpu.memory_space<vmem>>
    %dma_start3A_67 = arith.constant 0 : i32
    %dma_start3A_68 = tpu.memref_slice %arg3[%add3A_60, %dma_start3A_67] : memref<2048x1024xf32, #tpu.memory_space<hbm>> -> memref<32x1024xf32, #tpu.memory_space<hbm>>
    %dma_start3A_69 = tpu.memref_slice %arg6[%dma_start3A_62] : memref<2x!tpu.dma_semaphore, #tpu.memory_space<semaphore_mem>> -> memref<1x!tpu.dma_semaphore, #tpu.memory_space<semaphore_mem>>
    %dma_start3A_70 = tpu.memref_squeeze %dma_start3A_69 : memref<1x!tpu.dma_semaphore, #tpu.memory_space<semaphore_mem>> -> memref<!tpu.dma_semaphore, #tpu.memory_space<semaphore_mem>>
    %dma_start3A_71 = arith.constant 0 : i32
    %dma_start3A_72 = tpu.memref_slice %arg3[%add3A_60, %dma_start3A_71] : memref<2048x1024xf32, #tpu.memory_space<hbm>> -> memref<32x1024xf32, #tpu.memory_space<hbm>>
    %dma_start3A_73 = arith.constant 0 : i32
    %dma_start3A_74 = arith.constant 0 : i32
    %dma_start3A_75 = tpu.memref_slice %arg4[%dma_start3A_61, %dma_start3A_73, %dma_start3A_74] : memref<2x32x1024xf32, #tpu.memory_space<vmem>> -> memref<1x32x1024xf32, #tpu.memory_space<vmem>>
    %dma_start3A_76 = tpu.memref_squeeze %dma_start3A_75 : memref<1x32x1024xf32, #tpu.memory_space<vmem>> -> memref<32x1024xf32, #tpu.memory_space<vmem>>
    tpu.enqueue_dma source(%dma_start3A_76 : memref<32x1024xf32, #tpu.memory_space<vmem>>) target(%dma_start3A_72 : memref<32x1024xf32, #tpu.memory_space<hbm>>) target_semaphore(%dma_start3A_70 : memref<!tpu.dma_semaphore, #tpu.memory_space<semaphore_mem>>)
    %add3A_77 = arith.constant 32 : i32
    %add3A_78 = arith.addi %add3A_4, %add3A_77 : i32
    %dma_wait3A_79 = arith.constant 1 : i32
    %dma_wait3A_80 = arith.constant 1 : i32
    %dma_wait3A_81 = arith.constant 0 : i32
    %dma_wait3A_82 = arith.constant 0 : i32
    %dma_wait3A_83 = tpu.memref_slice %arg4[%dma_wait3A_79, %dma_wait3A_81, %dma_wait3A_82] : memref<2x32x1024xf32, #tpu.memory_space<vmem>> -> memref<1x32x1024xf32, #tpu.memory_space<vmem>>
    %dma_wait3A_84 = tpu.memref_squeeze %dma_wait3A_83 : memref<1x32x1024xf32, #tpu.memory_space<vmem>> -> memref<32x1024xf32, #tpu.memory_space<vmem>>
    %dma_wait3A_85 = arith.constant 0 : i32
    %dma_wait3A_86 = tpu.memref_slice %arg2[%add3A_78, %dma_wait3A_85] : memref<8192x1024xf32, #tpu.memory_space<hbm>> -> memref<32x1024xf32, #tpu.memory_space<hbm>>
    %dma_wait3A_87 = tpu.memref_slice %arg5[%dma_wait3A_80] : memref<2x!tpu.dma_semaphore, #tpu.memory_space<semaphore_mem>> -> memref<1x!tpu.dma_semaphore, #tpu.memory_space<semaphore_mem>>
    %dma_wait3A_88 = tpu.memref_squeeze %dma_wait3A_87 : memref<1x!tpu.dma_semaphore, #tpu.memory_space<semaphore_mem>> -> memref<!tpu.dma_semaphore, #tpu.memory_space<semaphore_mem>>
    %dma_wait3A_89 = arith.constant 0 : i32
    %dma_wait3A_90 = arith.constant 0 : i32
    %dma_wait3A_91 = tpu.memref_slice %arg4[%dma_wait3A_79, %dma_wait3A_89, %dma_wait3A_90] : memref<2x32x1024xf32, #tpu.memory_space<vmem>> -> memref<1x32x1024xf32, #tpu.memory_space<vmem>>
    %dma_wait3A_92 = tpu.memref_squeeze %dma_wait3A_91 : memref<1x32x1024xf32, #tpu.memory_space<vmem>> -> memref<32x1024xf32, #tpu.memory_space<vmem>>
    %dma_wait3A_93 = arith.constant 0 : i32
    %dma_wait3A_94 = tpu.memref_slice %arg2[%add3A_78, %dma_wait3A_93] : memref<8192x1024xf32, #tpu.memory_space<hbm>> -> memref<32x1024xf32, #tpu.memory_space<hbm>>
    tpu.wait_dma2 semaphore(%dma_wait3A_88 : memref<!tpu.dma_semaphore, #tpu.memory_space<semaphore_mem>>) src(%dma_wait3A_94 : memref<32x1024xf32, #tpu.memory_space<hbm>>) dst(%dma_wait3A_92 : memref<32x1024xf32, #tpu.memory_space<vmem>>)
    %add3A_95 = arith.constant 32 : i32
    %add3A_96 = arith.addi %mul3A_6, %add3A_95 : i32
    %dma_start3A_97 = arith.constant 1 : i32
    %dma_start3A_98 = arith.constant 1 : i32
    %dma_start3A_99 = arith.constant 0 : i32
    %dma_start3A_100 = arith.constant 0 : i32
    %dma_start3A_101 = tpu.memref_slice %arg4[%dma_start3A_97, %dma_start3A_99, %dma_start3A_100] : memref<2x32x1024xf32, #tpu.memory_space<vmem>> -> memref<1x32x1024xf32, #tpu.memory_space<vmem>>
    %dma_start3A_102 = tpu.memref_squeeze %dma_start3A_101 : memref<1x32x1024xf32, #tpu.memory_space<vmem>> -> memref<32x1024xf32, #tpu.memory_space<vmem>>
    %dma_start3A_103 = arith.constant 0 : i32
    %dma_start3A_104 = tpu.memref_slice %arg3[%add3A_96, %dma_start3A_103] : memref<2048x1024xf32, #tpu.memory_space<hbm>> -> memref<32x1024xf32, #tpu.memory_space<hbm>>
    %dma_start3A_105 = tpu.memref_slice %arg6[%dma_start3A_98] : memref<2x!tpu.dma_semaphore, #tpu.memory_space<semaphore_mem>> -> memref<1x!tpu.dma_semaphore, #tpu.memory_space<semaphore_mem>>
    %dma_start3A_106 = tpu.memref_squeeze %dma_start3A_105 : memref<1x!tpu.dma_semaphore, #tpu.memory_space<semaphore_mem>> -> memref<!tpu.dma_semaphore, #tpu.memory_space<semaphore_mem>>
    %dma_start3A_107 = arith.constant 0 : i32
    %dma_start3A_108 = tpu.memref_slice %arg3[%add3A_96, %dma_start3A_107] : memref<2048x1024xf32, #tpu.memory_space<hbm>> -> memref<32x1024xf32, #tpu.memory_space<hbm>>
    %dma_start3A_109 = arith.constant 0 : i32
    %dma_start3A_110 = arith.constant 0 : i32
    %dma_start3A_111 = tpu.memref_slice %arg4[%dma_start3A_97, %dma_start3A_109, %dma_start3A_110] : memref<2x32x1024xf32, #tpu.memory_space<vmem>> -> memref<1x32x1024xf32, #tpu.memory_space<vmem>>
    %dma_start3A_112 = tpu.memref_squeeze %dma_start3A_111 : memref<1x32x1024xf32, #tpu.memory_space<vmem>> -> memref<32x1024xf32, #tpu.memory_space<vmem>>
    tpu.enqueue_dma source(%dma_start3A_112 : memref<32x1024xf32, #tpu.memory_space<vmem>>) target(%dma_start3A_108 : memref<32x1024xf32, #tpu.memory_space<hbm>>) target_semaphore(%dma_start3A_106 : memref<!tpu.dma_semaphore, #tpu.memory_space<semaphore_mem>>)
    %add3A_113 = arith.constant 0 : i32
    %add3A_114 = arith.addi %mul3A_6, %add3A_113 : i32
    %dma_wait3A_115 = arith.constant 0 : i32
    %dma_wait3A_116 = arith.constant 0 : i32
    %dma_wait3A_117 = arith.constant 0 : i32
    %dma_wait3A_118 = arith.constant 0 : i32
    %dma_wait3A_119 = tpu.memref_slice %arg4[%dma_wait3A_115, %dma_wait3A_117, %dma_wait3A_118] : memref<2x32x1024xf32, #tpu.memory_space<vmem>> -> memref<1x32x1024xf32, #tpu.memory_space<vmem>>
    %dma_wait3A_120 = tpu.memref_squeeze %dma_wait3A_119 : memref<1x32x1024xf32, #tpu.memory_space<vmem>> -> memref<32x1024xf32, #tpu.memory_space<vmem>>
    %dma_wait3A_121 = arith.constant 0 : i32
    %dma_wait3A_122 = tpu.memref_slice %arg3[%add3A_114, %dma_wait3A_121] : memref<2048x1024xf32, #tpu.memory_space<hbm>> -> memref<32x1024xf32, #tpu.memory_space<hbm>>
    %dma_wait3A_123 = tpu.memref_slice %arg6[%dma_wait3A_116] : memref<2x!tpu.dma_semaphore, #tpu.memory_space<semaphore_mem>> -> memref<1x!tpu.dma_semaphore, #tpu.memory_space<semaphore_mem>>
    %dma_wait3A_124 = tpu.memref_squeeze %dma_wait3A_123 : memref<1x!tpu.dma_semaphore, #tpu.memory_space<semaphore_mem>> -> memref<!tpu.dma_semaphore, #tpu.memory_space<semaphore_mem>>
    %dma_wait3A_125 = arith.constant 0 : i32
    %dma_wait3A_126 = tpu.memref_slice %arg3[%add3A_114, %dma_wait3A_125] : memref<2048x1024xf32, #tpu.memory_space<hbm>> -> memref<32x1024xf32, #tpu.memory_space<hbm>>
    %dma_wait3A_127 = arith.constant 0 : i32
    %dma_wait3A_128 = arith.constant 0 : i32
    %dma_wait3A_129 = tpu.memref_slice %arg4[%dma_wait3A_115, %dma_wait3A_127, %dma_wait3A_128] : memref<2x32x1024xf32, #tpu.memory_space<vmem>> -> memref<1x32x1024xf32, #tpu.memory_space<vmem>>
    %dma_wait3A_130 = tpu.memref_squeeze %dma_wait3A_129 : memref<1x32x1024xf32, #tpu.memory_space<vmem>> -> memref<32x1024xf32, #tpu.memory_space<vmem>>
    tpu.wait_dma2 semaphore(%dma_wait3A_124 : memref<!tpu.dma_semaphore, #tpu.memory_space<semaphore_mem>>) src(%dma_wait3A_130 : memref<32x1024xf32, #tpu.memory_space<vmem>>) dst(%dma_wait3A_126 : memref<32x1024xf32, #tpu.memory_space<hbm>>)
    %add3A_131 = arith.constant 32 : i32
    %add3A_132 = arith.addi %mul3A_6, %add3A_131 : i32
    %dma_wait3A_133 = arith.constant 1 : i32
    %dma_wait3A_134 = arith.constant 1 : i32
    %dma_wait3A_135 = arith.constant 0 : i32
    %dma_wait3A_136 = arith.constant 0 : i32
    %dma_wait3A_137 = tpu.memref_slice %arg4[%dma_wait3A_133, %dma_wait3A_135, %dma_wait3A_136] : memref<2x32x1024xf32, #tpu.memory_space<vmem>> -> memref<1x32x1024xf32, #tpu.memory_space<vmem>>
    %dma_wait3A_138 = tpu.memref_squeeze %dma_wait3A_137 : memref<1x32x1024xf32, #tpu.memory_space<vmem>> -> memref<32x1024xf32, #tpu.memory_space<vmem>>
    %dma_wait3A_139 = arith.constant 0 : i32
    %dma_wait3A_140 = tpu.memref_slice %arg3[%add3A_132, %dma_wait3A_139] : memref<2048x1024xf32, #tpu.memory_space<hbm>> -> memref<32x1024xf32, #tpu.memory_space<hbm>>
    %dma_wait3A_141 = tpu.memref_slice %arg6[%dma_wait3A_134] : memref<2x!tpu.dma_semaphore, #tpu.memory_space<semaphore_mem>> -> memref<1x!tpu.dma_semaphore, #tpu.memory_space<semaphore_mem>>
    %dma_wait3A_142 = tpu.memref_squeeze %dma_wait3A_141 : memref<1x!tpu.dma_semaphore, #tpu.memory_space<semaphore_mem>> -> memref<!tpu.dma_semaphore, #tpu.memory_space<semaphore_mem>>
    %dma_wait3A_143 = arith.constant 0 : i32
    %dma_wait3A_144 = tpu.memref_slice %arg3[%add3A_132, %dma_wait3A_143] : memref<2048x1024xf32, #tpu.memory_space<hbm>> -> memref<32x1024xf32, #tpu.memory_space<hbm>>
    %dma_wait3A_145 = arith.constant 0 : i32
    %dma_wait3A_146 = arith.constant 0 : i32
    %dma_wait3A_147 = tpu.memref_slice %arg4[%dma_wait3A_133, %dma_wait3A_145, %dma_wait3A_146] : memref<2x32x1024xf32, #tpu.memory_space<vmem>> -> memref<1x32x1024xf32, #tpu.memory_space<vmem>>
    %dma_wait3A_148 = tpu.memref_squeeze %dma_wait3A_147 : memref<1x32x1024xf32, #tpu.memory_space<vmem>> -> memref<32x1024xf32, #tpu.memory_space<vmem>>
    tpu.wait_dma2 semaphore(%dma_wait3A_142 : memref<!tpu.dma_semaphore, #tpu.memory_space<semaphore_mem>>) src(%dma_wait3A_148 : memref<32x1024xf32, #tpu.memory_space<vmem>>) dst(%dma_wait3A_144 : memref<32x1024xf32, #tpu.memory_space<hbm>>)
    return
  }
}

module attributes {stable_mosaic.version = 14 : i64} {
  func.func @_tc_ring_body(%arg0: memref<8192x1024xf32, #tpu.memory_space<any>>, %arg1: memref<6144x1024xf32, #tpu.memory_space<any>>, %arg2: memref<3x2048x1024xf32, #tpu.memory_space<vmem>>, %arg3: memref<3x!tpu.dma_semaphore, #tpu.memory_space<semaphore_mem>>, %arg4: memref<3x!tpu.dma_semaphore, #tpu.memory_space<semaphore_mem>>) attributes {dimension_semantics = [], scalar_prefetch = 0 : i64, scratch_operands = 3 : i64, tpu.core_type = #tpu.core_type<tc>} {
    %dma_start3A = arith.constant 0 : i32
    %dma_start3A_0 = arith.constant 0 : i32
    %dma_start3A_1 = tpu.memref_slice %arg3[%dma_start3A_0] : memref<3x!tpu.dma_semaphore, #tpu.memory_space<semaphore_mem>> -> memref<1x!tpu.dma_semaphore, #tpu.memory_space<semaphore_mem>>
    %dma_start3A_2 = tpu.memref_squeeze %dma_start3A_1 : memref<1x!tpu.dma_semaphore, #tpu.memory_space<semaphore_mem>> -> memref<!tpu.dma_semaphore, #tpu.memory_space<semaphore_mem>>
    %dma_start3A_3 = arith.constant 0 : i32
    %dma_start3A_4 = arith.constant 0 : i32
    %dma_start3A_5 = tpu.memref_slice %arg2[%dma_start3A, %dma_start3A_3, %dma_start3A_4] : memref<3x2048x1024xf32, #tpu.memory_space<vmem>> -> memref<1x2048x1024xf32, #tpu.memory_space<vmem>>
    %dma_start3A_6 = tpu.memref_squeeze %dma_start3A_5 : memref<1x2048x1024xf32, #tpu.memory_space<vmem>> -> memref<2048x1024xf32, #tpu.memory_space<vmem>>
    %dma_start3A_7 = arith.constant 0 : i32
    %dma_start3A_8 = arith.constant 0 : i32
    %dma_start3A_9 = tpu.memref_slice %arg0[%dma_start3A_7, %dma_start3A_8] : memref<8192x1024xf32, #tpu.memory_space<any>> -> memref<2048x1024xf32, #tpu.memory_space<any>>
    tpu.enqueue_dma source(%dma_start3A_9 : memref<2048x1024xf32, #tpu.memory_space<any>>) target(%dma_start3A_6 : memref<2048x1024xf32, #tpu.memory_space<vmem>>) target_semaphore(%dma_start3A_2 : memref<!tpu.dma_semaphore, #tpu.memory_space<semaphore_mem>>)
    %dma_start3A_10 = arith.constant 1 : i32
    %dma_start3A_11 = arith.constant 1 : i32
    %dma_start3A_12 = tpu.memref_slice %arg3[%dma_start3A_11] : memref<3x!tpu.dma_semaphore, #tpu.memory_space<semaphore_mem>> -> memref<1x!tpu.dma_semaphore, #tpu.memory_space<semaphore_mem>>
    %dma_start3A_13 = tpu.memref_squeeze %dma_start3A_12 : memref<1x!tpu.dma_semaphore, #tpu.memory_space<semaphore_mem>> -> memref<!tpu.dma_semaphore, #tpu.memory_space<semaphore_mem>>
    %dma_start3A_14 = arith.constant 0 : i32
    %dma_start3A_15 = arith.constant 0 : i32
    %dma_start3A_16 = tpu.memref_slice %arg2[%dma_start3A_10, %dma_start3A_14, %dma_start3A_15] : memref<3x2048x1024xf32, #tpu.memory_space<vmem>> -> memref<1x2048x1024xf32, #tpu.memory_space<vmem>>
    %dma_start3A_17 = tpu.memref_squeeze %dma_start3A_16 : memref<1x2048x1024xf32, #tpu.memory_space<vmem>> -> memref<2048x1024xf32, #tpu.memory_space<vmem>>
    %dma_start3A_18 = arith.constant 2048 : i32
    %dma_start3A_19 = arith.constant 0 : i32
    %dma_start3A_20 = tpu.memref_slice %arg0[%dma_start3A_18, %dma_start3A_19] : memref<8192x1024xf32, #tpu.memory_space<any>> -> memref<2048x1024xf32, #tpu.memory_space<any>>
    tpu.enqueue_dma source(%dma_start3A_20 : memref<2048x1024xf32, #tpu.memory_space<any>>) target(%dma_start3A_17 : memref<2048x1024xf32, #tpu.memory_space<vmem>>) target_semaphore(%dma_start3A_13 : memref<!tpu.dma_semaphore, #tpu.memory_space<semaphore_mem>>)
    %dma_start3A_21 = arith.constant 2 : i32
    %dma_start3A_22 = arith.constant 2 : i32
    %dma_start3A_23 = tpu.memref_slice %arg3[%dma_start3A_22] : memref<3x!tpu.dma_semaphore, #tpu.memory_space<semaphore_mem>> -> memref<1x!tpu.dma_semaphore, #tpu.memory_space<semaphore_mem>>
    %dma_start3A_24 = tpu.memref_squeeze %dma_start3A_23 : memref<1x!tpu.dma_semaphore, #tpu.memory_space<semaphore_mem>> -> memref<!tpu.dma_semaphore, #tpu.memory_space<semaphore_mem>>
    %dma_start3A_25 = arith.constant 0 : i32
    %dma_start3A_26 = arith.constant 0 : i32
    %dma_start3A_27 = tpu.memref_slice %arg2[%dma_start3A_21, %dma_start3A_25, %dma_start3A_26] : memref<3x2048x1024xf32, #tpu.memory_space<vmem>> -> memref<1x2048x1024xf32, #tpu.memory_space<vmem>>
    %dma_start3A_28 = tpu.memref_squeeze %dma_start3A_27 : memref<1x2048x1024xf32, #tpu.memory_space<vmem>> -> memref<2048x1024xf32, #tpu.memory_space<vmem>>
    %dma_start3A_29 = arith.constant 4096 : i32
    %dma_start3A_30 = arith.constant 0 : i32
    %dma_start3A_31 = tpu.memref_slice %arg0[%dma_start3A_29, %dma_start3A_30] : memref<8192x1024xf32, #tpu.memory_space<any>> -> memref<2048x1024xf32, #tpu.memory_space<any>>
    tpu.enqueue_dma source(%dma_start3A_31 : memref<2048x1024xf32, #tpu.memory_space<any>>) target(%dma_start3A_28 : memref<2048x1024xf32, #tpu.memory_space<vmem>>) target_semaphore(%dma_start3A_24 : memref<!tpu.dma_semaphore, #tpu.memory_space<semaphore_mem>>)
    %dma_wait3A = arith.constant 0 : i32
    %dma_wait3A_32 = arith.constant 0 : i32
    %dma_wait3A_33 = tpu.memref_slice %arg3[%dma_wait3A_32] : memref<3x!tpu.dma_semaphore, #tpu.memory_space<semaphore_mem>> -> memref<1x!tpu.dma_semaphore, #tpu.memory_space<semaphore_mem>>
    %dma_wait3A_34 = tpu.memref_squeeze %dma_wait3A_33 : memref<1x!tpu.dma_semaphore, #tpu.memory_space<semaphore_mem>> -> memref<!tpu.dma_semaphore, #tpu.memory_space<semaphore_mem>>
    %dma_wait3A_35 = arith.constant 0 : i32
    %dma_wait3A_36 = arith.constant 0 : i32
    %dma_wait3A_37 = tpu.memref_slice %arg2[%dma_wait3A, %dma_wait3A_35, %dma_wait3A_36] : memref<3x2048x1024xf32, #tpu.memory_space<vmem>> -> memref<1x2048x1024xf32, #tpu.memory_space<vmem>>
    %dma_wait3A_38 = tpu.memref_squeeze %dma_wait3A_37 : memref<1x2048x1024xf32, #tpu.memory_space<vmem>> -> memref<2048x1024xf32, #tpu.memory_space<vmem>>
    %dma_wait3A_39 = arith.constant 0 : i32
    %dma_wait3A_40 = arith.constant 0 : i32
    %dma_wait3A_41 = tpu.memref_slice %arg0[%dma_wait3A_39, %dma_wait3A_40] : memref<8192x1024xf32, #tpu.memory_space<any>> -> memref<2048x1024xf32, #tpu.memory_space<any>>
    tpu.wait_dma2 semaphore(%dma_wait3A_34 : memref<!tpu.dma_semaphore, #tpu.memory_space<semaphore_mem>>) src(%dma_wait3A_41 : memref<2048x1024xf32, #tpu.memory_space<any>>) dst(%dma_wait3A_38 : memref<2048x1024xf32, #tpu.memory_space<vmem>>)
    %dma_start3A_42 = arith.constant 0 : i32
    %dma_start3A_43 = arith.constant 0 : i32
    %dma_start3A_44 = tpu.memref_slice %arg4[%dma_start3A_43] : memref<3x!tpu.dma_semaphore, #tpu.memory_space<semaphore_mem>> -> memref<1x!tpu.dma_semaphore, #tpu.memory_space<semaphore_mem>>
    %dma_start3A_45 = tpu.memref_squeeze %dma_start3A_44 : memref<1x!tpu.dma_semaphore, #tpu.memory_space<semaphore_mem>> -> memref<!tpu.dma_semaphore, #tpu.memory_space<semaphore_mem>>
    %dma_start3A_46 = arith.constant 0 : i32
    %dma_start3A_47 = arith.constant 0 : i32
    %dma_start3A_48 = tpu.memref_slice %arg1[%dma_start3A_46, %dma_start3A_47] : memref<6144x1024xf32, #tpu.memory_space<any>> -> memref<2048x1024xf32, #tpu.memory_space<any>>
    %dma_start3A_49 = arith.constant 0 : i32
    %dma_start3A_50 = arith.constant 0 : i32
    %dma_start3A_51 = tpu.memref_slice %arg2[%dma_start3A_42, %dma_start3A_49, %dma_start3A_50] : memref<3x2048x1024xf32, #tpu.memory_space<vmem>> -> memref<1x2048x1024xf32, #tpu.memory_space<vmem>>
    %dma_start3A_52 = tpu.memref_squeeze %dma_start3A_51 : memref<1x2048x1024xf32, #tpu.memory_space<vmem>> -> memref<2048x1024xf32, #tpu.memory_space<vmem>>
    tpu.enqueue_dma source(%dma_start3A_52 : memref<2048x1024xf32, #tpu.memory_space<vmem>>) target(%dma_start3A_48 : memref<2048x1024xf32, #tpu.memory_space<any>>) target_semaphore(%dma_start3A_45 : memref<!tpu.dma_semaphore, #tpu.memory_space<semaphore_mem>>)
    %dma_wait3A_53 = arith.constant 1 : i32
    %dma_wait3A_54 = arith.constant 1 : i32
    %dma_wait3A_55 = tpu.memref_slice %arg3[%dma_wait3A_54] : memref<3x!tpu.dma_semaphore, #tpu.memory_space<semaphore_mem>> -> memref<1x!tpu.dma_semaphore, #tpu.memory_space<semaphore_mem>>
    %dma_wait3A_56 = tpu.memref_squeeze %dma_wait3A_55 : memref<1x!tpu.dma_semaphore, #tpu.memory_space<semaphore_mem>> -> memref<!tpu.dma_semaphore, #tpu.memory_space<semaphore_mem>>
    %dma_wait3A_57 = arith.constant 0 : i32
    %dma_wait3A_58 = arith.constant 0 : i32
    %dma_wait3A_59 = tpu.memref_slice %arg2[%dma_wait3A_53, %dma_wait3A_57, %dma_wait3A_58] : memref<3x2048x1024xf32, #tpu.memory_space<vmem>> -> memref<1x2048x1024xf32, #tpu.memory_space<vmem>>
    %dma_wait3A_60 = tpu.memref_squeeze %dma_wait3A_59 : memref<1x2048x1024xf32, #tpu.memory_space<vmem>> -> memref<2048x1024xf32, #tpu.memory_space<vmem>>
    %dma_wait3A_61 = arith.constant 2048 : i32
    %dma_wait3A_62 = arith.constant 0 : i32
    %dma_wait3A_63 = tpu.memref_slice %arg0[%dma_wait3A_61, %dma_wait3A_62] : memref<8192x1024xf32, #tpu.memory_space<any>> -> memref<2048x1024xf32, #tpu.memory_space<any>>
    tpu.wait_dma2 semaphore(%dma_wait3A_56 : memref<!tpu.dma_semaphore, #tpu.memory_space<semaphore_mem>>) src(%dma_wait3A_63 : memref<2048x1024xf32, #tpu.memory_space<any>>) dst(%dma_wait3A_60 : memref<2048x1024xf32, #tpu.memory_space<vmem>>)
    %dma_start3A_64 = arith.constant 1 : i32
    %dma_start3A_65 = arith.constant 1 : i32
    %dma_start3A_66 = tpu.memref_slice %arg4[%dma_start3A_65] : memref<3x!tpu.dma_semaphore, #tpu.memory_space<semaphore_mem>> -> memref<1x!tpu.dma_semaphore, #tpu.memory_space<semaphore_mem>>
    %dma_start3A_67 = tpu.memref_squeeze %dma_start3A_66 : memref<1x!tpu.dma_semaphore, #tpu.memory_space<semaphore_mem>> -> memref<!tpu.dma_semaphore, #tpu.memory_space<semaphore_mem>>
    %dma_start3A_68 = arith.constant 2048 : i32
    %dma_start3A_69 = arith.constant 0 : i32
    %dma_start3A_70 = tpu.memref_slice %arg1[%dma_start3A_68, %dma_start3A_69] : memref<6144x1024xf32, #tpu.memory_space<any>> -> memref<2048x1024xf32, #tpu.memory_space<any>>
    %dma_start3A_71 = arith.constant 0 : i32
    %dma_start3A_72 = arith.constant 0 : i32
    %dma_start3A_73 = tpu.memref_slice %arg2[%dma_start3A_64, %dma_start3A_71, %dma_start3A_72] : memref<3x2048x1024xf32, #tpu.memory_space<vmem>> -> memref<1x2048x1024xf32, #tpu.memory_space<vmem>>
    %dma_start3A_74 = tpu.memref_squeeze %dma_start3A_73 : memref<1x2048x1024xf32, #tpu.memory_space<vmem>> -> memref<2048x1024xf32, #tpu.memory_space<vmem>>
    tpu.enqueue_dma source(%dma_start3A_74 : memref<2048x1024xf32, #tpu.memory_space<vmem>>) target(%dma_start3A_70 : memref<2048x1024xf32, #tpu.memory_space<any>>) target_semaphore(%dma_start3A_67 : memref<!tpu.dma_semaphore, #tpu.memory_space<semaphore_mem>>)
    %dma_wait3A_75 = arith.constant 2 : i32
    %dma_wait3A_76 = arith.constant 2 : i32
    %dma_wait3A_77 = tpu.memref_slice %arg3[%dma_wait3A_76] : memref<3x!tpu.dma_semaphore, #tpu.memory_space<semaphore_mem>> -> memref<1x!tpu.dma_semaphore, #tpu.memory_space<semaphore_mem>>
    %dma_wait3A_78 = tpu.memref_squeeze %dma_wait3A_77 : memref<1x!tpu.dma_semaphore, #tpu.memory_space<semaphore_mem>> -> memref<!tpu.dma_semaphore, #tpu.memory_space<semaphore_mem>>
    %dma_wait3A_79 = arith.constant 0 : i32
    %dma_wait3A_80 = arith.constant 0 : i32
    %dma_wait3A_81 = tpu.memref_slice %arg2[%dma_wait3A_75, %dma_wait3A_79, %dma_wait3A_80] : memref<3x2048x1024xf32, #tpu.memory_space<vmem>> -> memref<1x2048x1024xf32, #tpu.memory_space<vmem>>
    %dma_wait3A_82 = tpu.memref_squeeze %dma_wait3A_81 : memref<1x2048x1024xf32, #tpu.memory_space<vmem>> -> memref<2048x1024xf32, #tpu.memory_space<vmem>>
    %dma_wait3A_83 = arith.constant 4096 : i32
    %dma_wait3A_84 = arith.constant 0 : i32
    %dma_wait3A_85 = tpu.memref_slice %arg0[%dma_wait3A_83, %dma_wait3A_84] : memref<8192x1024xf32, #tpu.memory_space<any>> -> memref<2048x1024xf32, #tpu.memory_space<any>>
    tpu.wait_dma2 semaphore(%dma_wait3A_78 : memref<!tpu.dma_semaphore, #tpu.memory_space<semaphore_mem>>) src(%dma_wait3A_85 : memref<2048x1024xf32, #tpu.memory_space<any>>) dst(%dma_wait3A_82 : memref<2048x1024xf32, #tpu.memory_space<vmem>>)
    %dma_start3A_86 = arith.constant 2 : i32
    %dma_start3A_87 = arith.constant 2 : i32
    %dma_start3A_88 = tpu.memref_slice %arg4[%dma_start3A_87] : memref<3x!tpu.dma_semaphore, #tpu.memory_space<semaphore_mem>> -> memref<1x!tpu.dma_semaphore, #tpu.memory_space<semaphore_mem>>
    %dma_start3A_89 = tpu.memref_squeeze %dma_start3A_88 : memref<1x!tpu.dma_semaphore, #tpu.memory_space<semaphore_mem>> -> memref<!tpu.dma_semaphore, #tpu.memory_space<semaphore_mem>>
    %dma_start3A_90 = arith.constant 4096 : i32
    %dma_start3A_91 = arith.constant 0 : i32
    %dma_start3A_92 = tpu.memref_slice %arg1[%dma_start3A_90, %dma_start3A_91] : memref<6144x1024xf32, #tpu.memory_space<any>> -> memref<2048x1024xf32, #tpu.memory_space<any>>
    %dma_start3A_93 = arith.constant 0 : i32
    %dma_start3A_94 = arith.constant 0 : i32
    %dma_start3A_95 = tpu.memref_slice %arg2[%dma_start3A_86, %dma_start3A_93, %dma_start3A_94] : memref<3x2048x1024xf32, #tpu.memory_space<vmem>> -> memref<1x2048x1024xf32, #tpu.memory_space<vmem>>
    %dma_start3A_96 = tpu.memref_squeeze %dma_start3A_95 : memref<1x2048x1024xf32, #tpu.memory_space<vmem>> -> memref<2048x1024xf32, #tpu.memory_space<vmem>>
    tpu.enqueue_dma source(%dma_start3A_96 : memref<2048x1024xf32, #tpu.memory_space<vmem>>) target(%dma_start3A_92 : memref<2048x1024xf32, #tpu.memory_space<any>>) target_semaphore(%dma_start3A_89 : memref<!tpu.dma_semaphore, #tpu.memory_space<semaphore_mem>>)
    %dma_wait3A_97 = arith.constant 0 : i32
    %dma_wait3A_98 = arith.constant 0 : i32
    %dma_wait3A_99 = tpu.memref_slice %arg4[%dma_wait3A_98] : memref<3x!tpu.dma_semaphore, #tpu.memory_space<semaphore_mem>> -> memref<1x!tpu.dma_semaphore, #tpu.memory_space<semaphore_mem>>
    %dma_wait3A_100 = tpu.memref_squeeze %dma_wait3A_99 : memref<1x!tpu.dma_semaphore, #tpu.memory_space<semaphore_mem>> -> memref<!tpu.dma_semaphore, #tpu.memory_space<semaphore_mem>>
    %dma_wait3A_101 = arith.constant 0 : i32
    %dma_wait3A_102 = arith.constant 0 : i32
    %dma_wait3A_103 = tpu.memref_slice %arg1[%dma_wait3A_101, %dma_wait3A_102] : memref<6144x1024xf32, #tpu.memory_space<any>> -> memref<2048x1024xf32, #tpu.memory_space<any>>
    %dma_wait3A_104 = arith.constant 0 : i32
    %dma_wait3A_105 = arith.constant 0 : i32
    %dma_wait3A_106 = tpu.memref_slice %arg2[%dma_wait3A_97, %dma_wait3A_104, %dma_wait3A_105] : memref<3x2048x1024xf32, #tpu.memory_space<vmem>> -> memref<1x2048x1024xf32, #tpu.memory_space<vmem>>
    %dma_wait3A_107 = tpu.memref_squeeze %dma_wait3A_106 : memref<1x2048x1024xf32, #tpu.memory_space<vmem>> -> memref<2048x1024xf32, #tpu.memory_space<vmem>>
    tpu.wait_dma2 semaphore(%dma_wait3A_100 : memref<!tpu.dma_semaphore, #tpu.memory_space<semaphore_mem>>) src(%dma_wait3A_107 : memref<2048x1024xf32, #tpu.memory_space<vmem>>) dst(%dma_wait3A_103 : memref<2048x1024xf32, #tpu.memory_space<any>>)
    %dma_wait3A_108 = arith.constant 1 : i32
    %dma_wait3A_109 = arith.constant 1 : i32
    %dma_wait3A_110 = tpu.memref_slice %arg4[%dma_wait3A_109] : memref<3x!tpu.dma_semaphore, #tpu.memory_space<semaphore_mem>> -> memref<1x!tpu.dma_semaphore, #tpu.memory_space<semaphore_mem>>
    %dma_wait3A_111 = tpu.memref_squeeze %dma_wait3A_110 : memref<1x!tpu.dma_semaphore, #tpu.memory_space<semaphore_mem>> -> memref<!tpu.dma_semaphore, #tpu.memory_space<semaphore_mem>>
    %dma_wait3A_112 = arith.constant 2048 : i32
    %dma_wait3A_113 = arith.constant 0 : i32
    %dma_wait3A_114 = tpu.memref_slice %arg1[%dma_wait3A_112, %dma_wait3A_113] : memref<6144x1024xf32, #tpu.memory_space<any>> -> memref<2048x1024xf32, #tpu.memory_space<any>>
    %dma_wait3A_115 = arith.constant 0 : i32
    %dma_wait3A_116 = arith.constant 0 : i32
    %dma_wait3A_117 = tpu.memref_slice %arg2[%dma_wait3A_108, %dma_wait3A_115, %dma_wait3A_116] : memref<3x2048x1024xf32, #tpu.memory_space<vmem>> -> memref<1x2048x1024xf32, #tpu.memory_space<vmem>>
    %dma_wait3A_118 = tpu.memref_squeeze %dma_wait3A_117 : memref<1x2048x1024xf32, #tpu.memory_space<vmem>> -> memref<2048x1024xf32, #tpu.memory_space<vmem>>
    tpu.wait_dma2 semaphore(%dma_wait3A_111 : memref<!tpu.dma_semaphore, #tpu.memory_space<semaphore_mem>>) src(%dma_wait3A_118 : memref<2048x1024xf32, #tpu.memory_space<vmem>>) dst(%dma_wait3A_114 : memref<2048x1024xf32, #tpu.memory_space<any>>)
    %dma_wait3A_119 = arith.constant 2 : i32
    %dma_wait3A_120 = arith.constant 2 : i32
    %dma_wait3A_121 = tpu.memref_slice %arg4[%dma_wait3A_120] : memref<3x!tpu.dma_semaphore, #tpu.memory_space<semaphore_mem>> -> memref<1x!tpu.dma_semaphore, #tpu.memory_space<semaphore_mem>>
    %dma_wait3A_122 = tpu.memref_squeeze %dma_wait3A_121 : memref<1x!tpu.dma_semaphore, #tpu.memory_space<semaphore_mem>> -> memref<!tpu.dma_semaphore, #tpu.memory_space<semaphore_mem>>
    %dma_wait3A_123 = arith.constant 4096 : i32
    %dma_wait3A_124 = arith.constant 0 : i32
    %dma_wait3A_125 = tpu.memref_slice %arg1[%dma_wait3A_123, %dma_wait3A_124] : memref<6144x1024xf32, #tpu.memory_space<any>> -> memref<2048x1024xf32, #tpu.memory_space<any>>
    %dma_wait3A_126 = arith.constant 0 : i32
    %dma_wait3A_127 = arith.constant 0 : i32
    %dma_wait3A_128 = tpu.memref_slice %arg2[%dma_wait3A_119, %dma_wait3A_126, %dma_wait3A_127] : memref<3x2048x1024xf32, #tpu.memory_space<vmem>> -> memref<1x2048x1024xf32, #tpu.memory_space<vmem>>
    %dma_wait3A_129 = tpu.memref_squeeze %dma_wait3A_128 : memref<1x2048x1024xf32, #tpu.memory_space<vmem>> -> memref<2048x1024xf32, #tpu.memory_space<vmem>>
    tpu.wait_dma2 semaphore(%dma_wait3A_122 : memref<!tpu.dma_semaphore, #tpu.memory_space<semaphore_mem>>) src(%dma_wait3A_129 : memref<2048x1024xf32, #tpu.memory_space<vmem>>) dst(%dma_wait3A_125 : memref<2048x1024xf32, #tpu.memory_space<any>>)
    return
  }
}

</mosaic_0001>

<sc_bundles>
// kernel: kernel.4.cloned.1.call-start
scs
__scs_entry_jumppad:
0x0: {  	(pc) =	sbr.rel $0x88, $3  }
0x1: {  	(tag) =	ssettag $0x0;
	lr =	simm.s32 $0x1  }
0x2: {  	[smem:$0x3FA0] =	sst lr;
	_ =	strace $0xD0000000  }
0x3: {  	_ = 	snop  }
0x4: {  	_ = 	snop  }
0x5: {  	_ = 	snop  }
0x6: {  	_ = 	snop  }
0x7: {  	_ = 	snop  }
__scs_overlays_trampoline_lowered:
0x8: {  	[smem:$0x3FAF] =	sst s0  }
0x9: {  	[smem:$0x3FB0] =	sst s1  }
0xa: {  	[smem:$0x3FB1] =	sst s2  }
0xb: {  	[smem:$0x3FB2] =	sst s3  }
0xc: {  	[smem:$0x3FB3] =	sst s4  }
0xd: {  	[smem:$0x3FB4] =	sst s5  }
0xe: {  	[smem:$0x3FB5] =	sst s6  }
0xf: {  	[smem:$0x3FB6] =	sst s7  }
0x10: {  	[smem:$0x3FB7] =	sst s8  }
0x11: {  	[smem:$0x3FB8] =	sst s9;
	s0 =	simm.s32 @!p0 $0x0  }
0x12: {  	s1 =	sld [smem:$0x3F9E];
	s0 =	simm.s32 @p0 $0x1  }
0x13: {  	[smem:$0x3FB9] =	sst s0;
	s0 =	simm.s32 @!p1 $0x0  }
0x14: {  	s2 =	sld [smem:$0x3F9D];
	s0 =	simm.s32 @p1 $0x1  }
0x15: {  	[smem:$0x3FBA] =	sst s0;
	s0 =	simm.s32 @!p2 $0x0  }
0x16: {  	s3 =	sld [smem:$0x3FDB];
	s0 =	simm.s32 @p2 $0x1  }
0x17: {  	s4 =	simm.s32 $0x1BF5;
	[smem:$0x3FBC] =	sst s0  }
0x18: {  	s0 =	sld [smem:$0x3F9F];
	_ =	swait.ge [sflag:s4], $0x0  }
0x19: {  	s7 =	sld [smem:$0x3FA0]  }
0x1a: {  	s8 =	sadd.s32 $0xFFFFE003, lr  }
0x1b: {  	s9 =	sadd.s32 $0xFFFFFEF7, lr;
	s5 =	simm.s32 $0xFFFFFFFF;
	p2 =	slt.u32 s8, $0xFFFFF086  }
0x1c: {  	p1 =	slt.u32 s9, $0xF7A;
	s5 =	simm.s32 @!p2 $0x0  }
0x1d: {  	s5 =	simm.s32 @p1 $0x1;
	p0 =	seq.s32 s7, s2  }
0x1e: {  	s7 =	smul.u32 @!p0 $0xF7A, s2;
	p2 =	seq.s32 @!p0 s5, $0x0  }
0x1f: {  	s9 =	smul.u32 $0xF7A, s1;
	s8 =	simm.s32 @!p0 $0x1BF5;
	p2 =	por !p2, p0  }
0x20: {  	[sflag:s8] =	ssyncset.s32 @!p0 $0xFFFFF086;
	s6 =	sadd.s32 @!p0 s3, s7;
	s7 =	simm.s32 @!p0 $0x108  }
0x21: {  	s3 =	sadd.s32 s3, s9;
	s6 =	sadd.s32 @!p0 $0x88, s6;
	s7 =	simm.s32 @p2 $0x1082  }
0x22: {  	[simem:s7], [sflag:s8] =	dma.local @!p0 [hbm:s6], $0xF7A  }
0x23: {  	s9 =	sor.u32 $0xD0000000, s2;
	s6 =	simm.s32 $0x108;
	_ =	swait.ge @!p0 [sflag:s8], $0x0  }
0x24: {  	s3 =	sadd.s32 $0x88, s3;
	s6 =	simm.s32 @!p1 $0x1082;
	[sflag:s4] =	ssyncset.s32 $0xFFFFF086  }
0x25: {  	[simem:s6], [sflag:s4] =	dma.local [hbm:s3], $0xF7A  }
0x26: {  	[smem:$0x3FA0] =	sst s1;
	(tag) =	ssettag s2;
	_ =	strace s9  }
0x27: {  	s1 =	sld [smem:$0x3FB0]  }
0x28: {  	s2 =	sld [smem:$0x3FB1]  }
0x29: {  	s4 =	sld [smem:$0x3FB3]  }
0x2a: {  	p0 =	seq.s32 s5, $0x0;
	s5 =	sld [smem:$0x3FB4]  }
0x2b: {  	s6 =	sld [smem:$0x3FB5]  }
0x2c: {  	s7 =	sld [smem:$0x3FB6]  }
0x2d: {  	s3 =	simm.s32 $0x108;
	s8 =	sld [smem:$0x3FB7]  }
0x2e: {  	s3 =	simm.s32 @!p0 $0x1082;
	s9 =	sld [smem:$0x3FB8]  }
0x2f: {  	lr =	sadd.s32 s0, s3;
	s0 =	sld [smem:$0x3FAF]  }
0x30: {  	s3 =	sld [smem:$0x3FB2]  }
0x31: {  	[smem:$0x3FBB] =	sst s10  }
0x32: {  	s10 =	sld [smem:$0x3FB9];
	_ =	sdelay $0x3  }
0x33: {  	p0 =	seq.s32 s10, $0x1;
	s10 =	sld [smem:$0x3FBB];
	_ =	sdelay $0x3  }
0x34: {  	[smem:$0x3FBB] =	sst s10  }
0x35: {  	s10 =	sld [smem:$0x3FBA];
	_ =	sdelay $0x3  }
0x36: {  	p1 =	seq.s32 s10, $0x1;
	s10 =	sld [smem:$0x3FBB];
	_ =	sdelay $0x3  }
0x37: {  	[smem:$0x3FBB] =	sst s10  }
0x38: {  	s10 =	sld [smem:$0x3FBC]  }
0x39: {  	_ = 	snop;
	(pc) =	sbr.ind lr, $3  }
0x3a: {  	_ = 	snop  }
0x3b: {  	_ = 	snop  }
0x3c: {  	p2 =	seq.s32 s10, $0x1;
	s10 =	sld [smem:$0x3FBB]  }
0x3d: {  	_ =	shalt  }
0x3e: {  	_ =	shalt  }
0x3f: {  	_ =	shalt  }
0x40: {  	_ =	shalt  }
0x41: {  	_ =	shalt  }
0x42: {  	_ =	shalt  }
0x43: {  	_ =	shalt  }
0x44: {  	_ =	shalt  }
0x45: {  	_ =	shalt  }
0x46: {  	_ =	shalt  }
0x47: {  	_ =	shalt  }
0x48: {  	_ =	shalt  }
0x49: {  	_ =	shalt  }
0x4a: {  	_ =	shalt  }
0x4b: {  	_ =	shalt  }
0x4c: {  	_ =	shalt  }
0x4d: {  	_ =	shalt  }
0x4e: {  	_ =	shalt  }
0x4f: {  	_ =	shalt  }
0x50: {  	_ =	shalt  }
0x51: {  	_ =	shalt  }
0x52: {  	_ =	shalt  }
0x53: {  	_ =	shalt  }
0x54: {  	_ =	shalt  }
0x55: {  	_ =	shalt  }
0x56: {  	_ =	shalt  }
0x57: {  	_ =	shalt  }
0x58: {  	_ =	shalt  }
0x59: {  	_ =	shalt  }
0x5a: {  	_ =	shalt  }
0x5b: {  	_ =	shalt  }
0x5c: {  	_ =	shalt  }
0x5d: {  	_ =	shalt  }
0x5e: {  	_ =	shalt  }
0x5f: {  	_ =	shalt  }
0x60: {  	_ =	shalt  }
0x61: {  	_ =	shalt  }
0x62: {  	_ =	shalt  }
0x63: {  	_ =	shalt  }
0x64: {  	_ =	shalt  }
0x65: {  	_ =	shalt  }
0x66: {  	_ =	shalt  }
0x67: {  	_ =	shalt  }
0x68: {  	_ =	shalt  }
0x69: {  	_ =	shalt  }
0x6a: {  	_ =	shalt  }
0x6b: {  	_ =	shalt  }
0x6c: {  	_ =	shalt  }
0x6d: {  	_ =	shalt  }
0x6e: {  	_ =	shalt  }
0x6f: {  	_ =	shalt  }
0x70: {  	_ =	shalt  }
0x71: {  	_ =	shalt  }
0x72: {  	_ =	shalt  }
0x73: {  	_ =	shalt  }
0x74: {  	_ =	shalt  }
0x75: {  	_ =	shalt  }
0x76: {  	_ =	shalt  }
0x77: {  	_ =	shalt  }
0x78: {  	_ =	shalt  }
0x79: {  	_ =	shalt  }
0x7a: {  	_ =	shalt  }
0x7b: {  	_ =	shalt  }
0x7c: {  	_ =	shalt  }
0x7d: {  	_ =	shalt  }
0x7e: {  	_ =	shalt  }
0x7f: {  	_ =	shalt  }
0x80: {  	_ =	shalt  }
0x81: {  	_ =	shalt  }
0x82: {  	_ =	shalt  }
0x83: {  	_ =	shalt  }
0x84: {  	_ =	shalt  }
0x85: {  	_ =	shalt  }
0x86: {  	_ =	shalt  }
0x87: {  	_ =	shalt  }
.Lfunc_end0:
.L_simem_size_0:
called_computation_lowered:
.L_overlay_start_0:
0x88: {  	s2 =	sld [smem:$0x3FD9]  }
0x89: {  	s3 =	sld [smem:$0x3FFE];
	_ =	sdelay $0x1  }
0x8a: {  	s1 =	srdreg.scid  }
0x8b: {  	s0 =	sand.u32 $0x1, s1  }
0x8c: {  	s17 =	sshll.u32 s0, $0xA;
	s2 =	sadd.s32 s3, s2  }
0x8d: {  	s2 =	sadd.s32 s2, s17  }
0x8e: {  	[smem:$0x3FC7] =	sst s2  }
0x8f: {  	_ = 	snop  }
0x90: {  	s2 =	sld [smem:$0x3FC9];
	(tm) =	ssettm $0x1  }
0x91: {  	s18 =	sld [smem:$0x3FFB];
	_ =	sdelay $0x3  }
0x92: {  	_ =	strace s18  }
0x93: {  	s3 =	sld [smem:$0x3FFC];
	_ =	sdelay $0x3  }
0x94: {  	_ =	strace s3  }
0x95: {  	s3 =	sld [smem:$0x3FFD];
	_ =	sdelay $0x3  }
0x96: {  	_ =	strace s3  }
0x97: {  	_ =	strace $0x8FFFFFFF  }
0x98: {  	s19 =	sld [smem:$0x3FDB];
	_ =	sdelay $0x1  }
0x99: {  	s4 =	simm.s32 $_scs_section_size  }
0x9a: {  	s5 =	simm.s32 $_size__tile_overlayer_lowered;
	s6 =	simm.s32 $_tile_overlayer_lowered  }
0x9b: {  	s22 =	simm.s32 $0x1BFF;
	s21 =	sshll.u32 s6, $0x1;
	s3 =	sadd.s32 s4, s19  }
0x9c: {  	s7 =	simm.s32 $0x0;
	s20 =	sshll.u32 s5, $0x1;
	s5 =	sadd.s32 s21, s3  }
0x9d: {  	[timem:s7], [sflag:s22] =	dma.local [hbm:s5], s20  }
0x9e: {  	_ =	swait.ge [sflag:s22], s20  }
0x9f: {  	s4 =	ssub.s32 $0x0, s20;
	[sflag:s22] =	ssyncset.done $0x0  }
0xa0: {  	[sflag:s22] =	ssyncadd.s32 s4;
	_ =	sdelay $0x1  }
0xa1: {  	s23 =	simm.s32 $0x1B8B  }
0xa2: {  	_ =	swait.ge [sflag:s23], $0x1  }
0xa3: {  	[sflag:s23] =	ssyncset.done $0x0  }
0xa4: {  	s25 =	simm.s32 $0x1B8E;
	s24 =	sld [smem:$0x3FFE];
	[sflag:s23] =	ssyncadd.s32 $0xFFFFFFFF  }
0xa5: {  	s26 =	simm.s32 $execute0_lowered;
	[smem:$0x3FD2] =	sst s25  }
0xa6: {  	s5 =	sshll.u32 s26, $0x1;
	_ =	strace $0x80000046;
	[dreg:$0x1] =	wrdreg $0xFFFFFFFF  }
0xa7: {  	s28 =	simm.s32 $_size_execute0_lowered;
	s3 =	sadd.s32 s3, s5;
	[dreg:$0x0] =	wrdreg $0x0  }
0xa8: {  	s5 =	sshll.u32 s28, $0x1;
	[dreg:$0x2] =	wrdreg s3  }
0xa9: {  	[dreg:$0x3] =	wrdreg s5  }
0xaa: {  	[dreg:$0x4] =	wrdreg $0xC0  }
0xab: {  	_ =	task [dreg:s7], $0x5FFFF  }
0xac: {  	[dreg:$0x1] =	wrdreg $0xFFFFFFFF  }
0xad: {  	[dreg:$0x0] =	wrdreg $0x60  }
0xae: {  	[dreg:$0x2] =	wrdreg s2  }
0xaf: {  	[dreg:$0x3] =	wrdreg s24  }
0xb0: {  	[dreg:$0x4] =	wrdreg $0x9  }
0xb1: {  	_ =	task.clear_ibuf [dreg:s7], $0x5FFFF;
	_ =	strace $0x90000046  }
0xb2: {  	s29 =	simm.s32 $0x9;
	_ =	strace $0x80000048  }
0xb3: {  	_ =	swait.ge [sflag:s29], $0x1  }
0xb4: {  	[sflag:s29] =	ssyncadd.s32 $0xFFFFFFFF  }
0xb5: {  	_ =	strace $0x90000048  }
0xb6: {  	_ =	sfence  }
0xb7: {  	s30 =	sld [smem:$0x0];
	_ =	sdelay $0x2  }
0xb8: {  	s31 =	sshll.u32 s1, $0xD;
	s1 =	sshrl.u32 s1, $0x2  }
0xb9: {  	s3 =	sand.u32 $0x4000, s31;
	s1 =	sadd.s32 s1, s30  }
0xba: {  	s0 =	sor.u32 s3, s0;
	s1 =	sshll.u32 s1, $0x11  }
0xbb: {  	s0 =	sor.u32 s1, s0  }
0xbc: {  	s0 =	sadd.s32 $0x8F2B, s0  }
0xbd: {  	[sflag:s0] =	ssyncadd.remote.s32 $0x1  }
0xbe: {  	_ =	sfence.sel $0xFFFF  }
0xbf: {  	[dreg:$0x0] =	wrdreg $0xFFFFFFFF;
	(pc) =	sbr.abs _section_cstart, $3  }
0xc0: {  	[dreg:$0x1] =	wrdreg $0xFFFFFFFF  }
0xc1: {  	_ =	task.clear_ibuf [dreg:s7], $0x2FFFF;
	_ =	strace $0x9FFFFFFF  }
0xc2: {  	(tm) =	ssettm $0x7FFFFFFF  }
0xc3: {  	_ =	shalt  }
tec
execute0_lowered:
.L_overlay_start_1:
0x0: {  	(tag) =	ssettag $0x1  }
0x1: {  	s1 =	srdreg.scid  }
0x2: {  	s0 =	stileid.u32;
	s9 =	sand.u32 $0x1, s1  }
0x3: {  	s3 =	rddreg [dreg:$0x0];
	s4 =	sshll.u32 s0, $0xE;
	s5 =	sshll.u32 s9, $0xD  }
0x4: {  	s7 =	rddreg [dreg:$0x1];
	s2 =	simm.s32 $0x0;
	s8 =	sor.u32 s5, s4  }
0x5: {  	[smem:$0x7FF] =	sst s2;
	s4 =	sadd.s32 s8, s3  }
0x6: {  	s1 =	rddreg [dreg:$0x2];
	_ =	strace $0x80000047;
	s3 =	sadd.s32 $0xC0000, s4  }
0x7: {  	[tilespmem:s2], [sflag:$0x1] =	stream.linear.gather [hbm4b:s3+s2], $0x8000, $0x38;
	[tilespmem:$0x10000] =	vst v63  }
0x8: {  	s6 =	simm.s32 $0x1;
	s5 =	simm.s32 $0x8000;
	s4 =	sadd.s32 $0xC1000, s4  }
0x9: {  	[tilespmem:s5], [sflag:$0x2] =	stream.linear.gather [hbm4b:s4+s2], $0x8000, $0x38;
	[tilespmem:$0x10000] =	vst v63  }
0xa: {  	s11 =	ssub.s32 $0x2, s9;
	_ =	swait.ge [sflag:s6], $0x8000  }
0xb: {  	s12 =	sshrl.u32 s11, $0x1;
	s10 =	sadd.s32 s8, s7;
	[sflag:s6] =	ssyncset.done $0x0  }
0xc: {  	s8 =	simm.s32 $0x2;
	s7 =	sadd.s32 $0x400, s10;
	[sflag:s6] =	ssyncadd.s32 $0xFFFF8000  }
0xd: {  	[hbm4b:s7+s2] =	stream.linear.scatter [tilespmem:s2], [sflag:$0x3], $0x8000, $0x38;
	[tilespmem:$0x10000] =	vst v63  }
0xe: {  	s11 =	ssub.s32 s11, s12;
	_ =	swait.ge [sflag:s8], $0x8000  }
0xf: {  	s9 =	sadd.s32 $0x1400, s10;
	s12 =	smax.u32 s11, $0x1;
	[sflag:s8] =	ssyncset.done $0x0  }
0x10: {  	s10 =	simm.s32 $0x3;
	p0 =	sne.s32 s12, $0x1;
	[sflag:s8] =	ssyncadd.s32 $0xFFFF8000  }
0x11: {  	[hbm4b:s9+s2] =	stream.linear.scatter [tilespmem:s5], [sflag:$0x4], $0x8000, $0x38;
	[tilespmem:$0x10000] =	vst v63  }
.Ltmp0:
0x12: {  	_ =	swait.ge [sflag:s10], $0x8000;
	(pc) =	sbr.rel @!p0 .LBB2_2-.Ltmp0, $4  }
0x13: {  	[sflag:s10] =	ssyncset.done $0x0  }
0x14: {  	s11 =	simm.s32 $0x4;
	[sflag:s10] =	ssyncadd.s32 $0xFFFF8000  }
0x15: {  	_ =	swait.ge [sflag:s11], $0x8000  }
0x16: {  	s12 =	sadd.s32 $0xFFFFFFFF, s12;
	[sflag:s11] =	ssyncset.done $0x0  }
.LBB2_1:
0x17: {  	p0 =	sne.s32 s12, $0x1;
	s12 =	sadd.s32 $0xFFFFFFFF, s12;
	[sflag:s11] =	ssyncadd.s32 $0xFFFF8000  }
0x18: {  	[tilespmem:s2], [sflag:$0x1] =	stream.linear.gather [hbm4b:s3+s2], $0x8000, $0x38;
	[tilespmem:$0x10000] =	vst v63  }
0x19: {  	_ = 	snop  }
0x1a: {  	[tilespmem:s5], [sflag:$0x2] =	stream.linear.gather [hbm4b:s4+s2], $0x8000, $0x38;
	[tilespmem:$0x10000] =	vst v63  }
0x1b: {  	_ =	swait.ge [sflag:s6], $0x8000  }
0x1c: {  	[sflag:s6] =	ssyncset.done $0x0  }
0x1d: {  	[sflag:s6] =	ssyncadd.s32 $0xFFFF8000  }
0x1e: {  	[hbm4b:s7+s2] =	stream.linear.scatter [tilespmem:s2], [sflag:$0x3], $0x8000, $0x38;
	[tilespmem:$0x10000] =	vst v63  }
0x1f: {  	_ =	swait.ge [sflag:s8], $0x8000  }
0x20: {  	[sflag:s8] =	ssyncset.done $0x0  }
0x21: {  	[sflag:s8] =	ssyncadd.s32 $0xFFFF8000  }
0x22: {  	[hbm4b:s9+s2] =	stream.linear.scatter [tilespmem:s5], [sflag:$0x4], $0x8000, $0x38;
	[tilespmem:$0x10000] =	vst v63  }
.Ltmp1:
0x23: {  	_ =	swait.ge [sflag:s10], $0x8000;
	(pc) =	sbr.rel @p0 .LBB2_1-.Ltmp1, $4  }
0x24: {  	[sflag:s10] =	ssyncset.done $0x0  }
0x25: {  	[sflag:s10] =	ssyncadd.s32 $0xFFFF8000  }
0x26: {  	_ =	swait.ge [sflag:s11], $0x8000  }
0x27: {  	[sflag:s11] =	ssyncset.done $0x0  }
.LBB2_2:
0x28: {  	[sflag:s11] =	ssyncadd.s32 $0xFFFF8000  }
0x29: {  	_ =	sfence.sel $0x180000  }
0x2a: {  	[bflag:$0x0] =	sbarrier.arrive $0xFFFF  }
0x2b: {  	p0 =	sne.s32 s0, $0x0;
	_ =	strace $0x90000047  }
0x2c: {  	s0 =	sadd.s32 @!p0 $0x100000, s1;
	[bflag:$0x2] =	sbarrier.arrive $0xFFFF  }
0x2d: {  	[sflag:s0] =	ssyncadd.tile.s32 @!p0 $0x1;
	_ =	shalt  }
.Lfunc_end2:
_tile_overlayer_lowered:
.L_overlay_start_2:
0x2e: {  	(tag) =	ssettag $0x2  }
0x2f: {  	s0 =	rddreg [dreg:$0x0];
	s2 =	stileid.u32  }
0x30: {  	s1 =	rddreg [dreg:$0x1];
	p0 =	sne.s32 s2, $0x0  }
0x31: {  	s3 =	rddreg [dreg:$0x2];
	[bflag:$0x3] =	sbarrier.arrive $0xFFFF;
	s2 =	simm.s32 @!p0 $0x1C05  }
0x32: {  	[timem:s3], [sflag:s2] =	dma.local @!p0 [hbm:s0], s1  }
0x33: {  	s0 =	simm.s32 @!p0 $0x5  }
0x34: {  	_ =	swait.ge @!p0 [sflag:s0], s1  }
0x35: {  	s1 =	ssub.s32 @!p0 $0x0, s1;
	[sflag:s0] =	ssyncset.done @!p0 $0x0  }
0x36: {  	[sflag:s0] =	ssyncadd.s32 @!p0 s1  }
0x37: {  	[bflag:$0x3] =	sbarrier.arrive $0xFFFF  }
0x38: {  	_ =	shalt  }

</sc_bundles>
